<compile_context>
chip_gen: v7x
topology: tpu7x:2x2x1
jax: 0.10.2.dev20260603
libtpu: 0.0.44.dev20260713+nightly
codegen_flags: <defaults>
</compile_context>

<pallas_src>
import functools

import jax
import jax.numpy as jnp
from jax import lax
from jax.experimental import pallas as pl
from jax.experimental.pallas import tpu as pltpu
from jax.experimental.pallas import tpu_sc as plsc

_HIDDEN = 2048
_BATCH = 16384
_NC = 2
_NS = 16
_NW = _NC * _NS
_ROWS_PER_W = _BATCH // _NW
_RA = 496
_RB = _BATCH // _NS - _RA

_mesh = plsc.VectorSubcoreMesh(core_axis_name="c", subcore_axis_name="s")


@functools.partial(
    pl.kernel,
    out_type=jax.ShapeDtypeStruct((_BATCH, _HIDDEN), jnp.float32),
    mesh=_mesh,
    scratch_types=[
        pltpu.VMEM((1, _HIDDEN), jnp.float32),
        pltpu.SemaphoreType.DMA,
    ],
)
def _broadcast_row(w_hbm, out_hbm, buf, sem):
    c = lax.axis_index("c")
    s = lax.axis_index("s")
    rows = jnp.where(c == 0, _RA, _RB)
    base = jnp.where(c == 0, s * _RA, _NS * _RA + s * _RB)
    pltpu.sync_copy(w_hbm, buf)

    def _issue_block(i, carry):
        for j in range(4):
            pltpu.async_copy(
                buf, out_hbm.at[pl.ds(base + i * 4 + j, 1)], sem
            )
        return carry

    lax.fori_loop(0, rows // 4, _issue_block, 0)

    @pl.when(c == 0)
    def _():
        pltpu.make_async_copy(
            out_hbm.at[pl.ds(base, _RA)],
            out_hbm.at[pl.ds(base, _RA)],
            sem,
        ).wait()

    @pl.when(c == 1)
    def _():
        pltpu.make_async_copy(
            out_hbm.at[pl.ds(base, _RB)],
            out_hbm.at[pl.ds(base, _RB)],
            sem,
        ).wait()


def kernel(x, embedding_weight):
    del x
    return _broadcast_row(embedding_weight)

# --- scband reference (transcript-rebuilt; emitter-appended) ---
"""Pipeline reference for scband-timestep-embedder-3435973837541 (READ-ONLY COPY).

The authoritative reference and input builder live on the scoring server;
editing this copy changes nothing except your own understanding.
"""

import jax, jax.numpy as jnp
import numpy as np

HIDDEN_SIZE = 2048
BATCH = 16384

def setup_inputs(seed: int = 0) -> dict:
    key = jax.random.key(seed)
    k1, k2 = jax.random.split(key)
    x = jax.random.normal(k1, (BATCH, HIDDEN_SIZE), dtype=jnp.float32)
    # nn.Embedding(1, hidden_size) weight, default init N(0,1)
    embedding_weight = jax.random.normal(k2, (1, HIDDEN_SIZE), dtype=jnp.float32)
    return {"x": x, "embedding_weight": embedding_weight}

def reference(x, embedding_weight):
    batch_size = x.shape[0]
    task_id = jnp.zeros((batch_size,), dtype=jnp.int32)
    # embedding lookup: gather rows of the table
    out = jnp.take(embedding_weight, task_id, axis=0)
    return out

if __name__ == "__main__":
    import jax
    _d = setup_inputs()
    print(jax.jit(kernel)(*tuple(_d.values())))

</pallas_src>

<mosaic_0001>
#map = affine_map<(d0, d1) -> (0, 0)>
module attributes {stable_mosaic.version = 14 : i64} {
  func.func @_broadcast_row(%arg0: i32, %arg1: i32, %arg2: memref<1x2048xf32, #tpu.memory_space<hbm>>, %arg3: memref<16384x2048xf32, #tpu.memory_space<hbm>>, %arg4: memref<1x2048xf32, #tpu.memory_space<vmem>>, %arg5: memref<!tpu.dma_semaphore, #tpu.memory_space<semaphore_mem>>) attributes {dimension_semantics = [#tpu.dimension_semantics<core_parallel>, #tpu.dimension_semantics<subcore_parallel>], iteration_bounds = array<i64: 2, 16>, scalar_prefetch = 0 : i64, scratch_operands = 2 : i64, tpu.core_type = #tpu.core_type<sc_vector_subcore>, window_params = [{transform_indices = #map}, {transform_indices = #map}]} {
    %eq3A = arith.constant 0 : i32
    %eq3A_0 = arith.cmpi eq, %arg0, %eq3A : i32
    %jit3A = arith.constant 496 : i32
    %jit3A_1 = arith.constant 528 : i32
    %select_n3A = arith.select %eq3A_0, %jit3A, %jit3A_1 : i32
    %eq3A_2 = arith.constant 0 : i32
    %eq3A_3 = arith.cmpi eq, %arg0, %eq3A_2 : i32
    %mul3A = arith.constant 496 : i32
    %mul3A_4 = arith.muli %arg1, %mul3A : i32
    %mul3A_5 = arith.constant 528 : i32
    %mul3A_6 = arith.muli %arg1, %mul3A_5 : i32
    %add3A = arith.constant 7936 : i32
    %add3A_7 = arith.addi %add3A, %mul3A_6 : i32
    %select_n3A_8 = arith.select %eq3A_3, %mul3A_4, %add3A_7 : i32
    "tpu.region"() ({
      %run_scoped3A = tpu.sem_alloc : memref<!tpu.dma_semaphore, #tpu.memory_space<semaphore_mem>>
      tpu.enqueue_dma source(%arg2 : memref<1x2048xf32, #tpu.memory_space<hbm>>) target(%arg4 : memref<1x2048xf32, #tpu.memory_space<vmem>>) target_semaphore(%run_scoped3A : memref<!tpu.dma_semaphore, #tpu.memory_space<semaphore_mem>>)
      tpu.wait_dma2 semaphore(%run_scoped3A : memref<!tpu.dma_semaphore, #tpu.memory_space<semaphore_mem>>) src(%arg2 : memref<1x2048xf32, #tpu.memory_space<hbm>>) dst(%arg4 : memref<1x2048xf32, #tpu.memory_space<vmem>>)
      tpu.yield
    }) : () -> ()
    %jit3A_9 = arith.constant 4 : i32
    %div3A = arith.divsi %select_n3A, %jit3A_9 : i32
    %sign3A = arith.constant 0 : i32
    %sign3A_10 = arith.cmpi sgt, %select_n3A, %sign3A : i32
    %sign3A_11 = arith.extui %sign3A_10 : i1 to i32
    %sign3A_12 = arith.constant 0 : i32
    %sign3A_13 = arith.cmpi slt, %select_n3A, %sign3A_12 : i32
    %sign3A_14 = arith.extui %sign3A_13 : i1 to i32
    %sign3A_15 = arith.subi %sign3A_11, %sign3A_14 : i32
    %sign3A_16 = arith.constant 0 : i32
    %sign3A_17 = arith.cmpi sgt, %jit3A_9, %sign3A_16 : i32
    %sign3A_18 = arith.extui %sign3A_17 : i1 to i32
    %sign3A_19 = arith.constant 0 : i32
    %sign3A_20 = arith.cmpi slt, %jit3A_9, %sign3A_19 : i32
    %sign3A_21 = arith.extui %sign3A_20 : i1 to i32
    %sign3A_22 = arith.subi %sign3A_18, %sign3A_21 : i32
    %ne3A = arith.cmpi ne, %sign3A_15, %sign3A_22 : i32
    %rem3A = arith.remsi %select_n3A, %jit3A_9 : i32
    %ne3A_23 = arith.constant 0 : i32
    %ne3A_24 = arith.cmpi ne, %rem3A, %ne3A_23 : i32
    %and3A = arith.andi %ne3A, %ne3A_24 : i1
    %sub3A = arith.constant 1 : i32
    %sub3A_25 = arith.subi %div3A, %sub3A : i32
    %select_n3A_26 = arith.select %and3A, %sub3A_25, %div3A : i32
    %while3A = arith.constant 0 : i32
    %while3A_27 = arith.constant 0 : i32
    %while3A_28 = arith.subi %select_n3A_26, %while3A_27 : i32
    %while3A_29 = arith.addi %while3A_27, %while3A_28 : i32
    %while3A_30 = arith.constant 1 : i32
    %while3A_31 = arith.divsi %while3A_28, %while3A_30 : i32
    %while3A_32 = arith.muli %while3A_31, %while3A_30 : i32
    %while3A_33 = arith.addi %while3A_27, %while3A_32 : i32
    %while3A_34 = arith.constant 1 : i32
    scf.for %while3A_44 = %while3A_27 to %while3A_33 step %while3A_34  : i32 {
      %mul3A_45 = arith.constant 4 : i32
      %mul3A_46 = arith.muli %while3A_44, %mul3A_45 : i32
      %add3A_47 = arith.addi %select_n3A_8, %mul3A_46 : i32
      %add3A_48 = arith.constant 0 : i32
      %add3A_49 = arith.addi %add3A_47, %add3A_48 : i32
      %dma_start3A = arith.constant 0 : i32
      %dma_start3A_50 = tpu.memref_slice %arg3[%add3A_49, %dma_start3A] : memref<16384x2048xf32, #tpu.memory_space<hbm>> -> memref<1x2048xf32, #tpu.memory_space<hbm>>
      %dma_start3A_51 = arith.constant 0 : i32
      %dma_start3A_52 = tpu.memref_slice %arg3[%add3A_49, %dma_start3A_51] : memref<16384x2048xf32, #tpu.memory_space<hbm>> -> memref<1x2048xf32, #tpu.memory_space<hbm>>
      tpu.enqueue_dma source(%arg4 : memref<1x2048xf32, #tpu.memory_space<vmem>>) target(%dma_start3A_52 : memref<1x2048xf32, #tpu.memory_space<hbm>>) target_semaphore(%arg5 : memref<!tpu.dma_semaphore, #tpu.memory_space<semaphore_mem>>)
      %mul3A_53 = arith.constant 4 : i32
      %mul3A_54 = arith.muli %while3A_44, %mul3A_53 : i32
      %add3A_55 = arith.addi %select_n3A_8, %mul3A_54 : i32
      %add3A_56 = arith.constant 1 : i32
      %add3A_57 = arith.addi %add3A_55, %add3A_56 : i32
      %dma_start3A_58 = arith.constant 0 : i32
      %dma_start3A_59 = tpu.memref_slice %arg3[%add3A_57, %dma_start3A_58] : memref<16384x2048xf32, #tpu.memory_space<hbm>> -> memref<1x2048xf32, #tpu.memory_space<hbm>>
      %dma_start3A_60 = arith.constant 0 : i32
      %dma_start3A_61 = tpu.memref_slice %arg3[%add3A_57, %dma_start3A_60] : memref<16384x2048xf32, #tpu.memory_space<hbm>> -> memref<1x2048xf32, #tpu.memory_space<hbm>>
      tpu.enqueue_dma source(%arg4 : memref<1x2048xf32, #tpu.memory_space<vmem>>) target(%dma_start3A_61 : memref<1x2048xf32, #tpu.memory_space<hbm>>) target_semaphore(%arg5 : memref<!tpu.dma_semaphore, #tpu.memory_space<semaphore_mem>>)
      %mul3A_62 = arith.constant 4 : i32
      %mul3A_63 = arith.muli %while3A_44, %mul3A_62 : i32
      %add3A_64 = arith.addi %select_n3A_8, %mul3A_63 : i32
      %add3A_65 = arith.constant 2 : i32
      %add3A_66 = arith.addi %add3A_64, %add3A_65 : i32
      %dma_start3A_67 = arith.constant 0 : i32
      %dma_start3A_68 = tpu.memref_slice %arg3[%add3A_66, %dma_start3A_67] : memref<16384x2048xf32, #tpu.memory_space<hbm>> -> memref<1x2048xf32, #tpu.memory_space<hbm>>
      %dma_start3A_69 = arith.constant 0 : i32
      %dma_start3A_70 = tpu.memref_slice %arg3[%add3A_66, %dma_start3A_69] : memref<16384x2048xf32, #tpu.memory_space<hbm>> -> memref<1x2048xf32, #tpu.memory_space<hbm>>
      tpu.enqueue_dma source(%arg4 : memref<1x2048xf32, #tpu.memory_space<vmem>>) target(%dma_start3A_70 : memref<1x2048xf32, #tpu.memory_space<hbm>>) target_semaphore(%arg5 : memref<!tpu.dma_semaphore, #tpu.memory_space<semaphore_mem>>)
      %mul3A_71 = arith.constant 4 : i32
      %mul3A_72 = arith.muli %while3A_44, %mul3A_71 : i32
      %add3A_73 = arith.addi %select_n3A_8, %mul3A_72 : i32
      %add3A_74 = arith.constant 3 : i32
      %add3A_75 = arith.addi %add3A_73, %add3A_74 : i32
      %dma_start3A_76 = arith.constant 0 : i32
      %dma_start3A_77 = tpu.memref_slice %arg3[%add3A_75, %dma_start3A_76] : memref<16384x2048xf32, #tpu.memory_space<hbm>> -> memref<1x2048xf32, #tpu.memory_space<hbm>>
      %dma_start3A_78 = arith.constant 0 : i32
      %dma_start3A_79 = tpu.memref_slice %arg3[%add3A_75, %dma_start3A_78] : memref<16384x2048xf32, #tpu.memory_space<hbm>> -> memref<1x2048xf32, #tpu.memory_space<hbm>>
      tpu.enqueue_dma source(%arg4 : memref<1x2048xf32, #tpu.memory_space<vmem>>) target(%dma_start3A_79 : memref<1x2048xf32, #tpu.memory_space<hbm>>) target_semaphore(%arg5 : memref<!tpu.dma_semaphore, #tpu.memory_space<semaphore_mem>>)
    }
    %while3A_35 = arith.constant 1 : i32
    scf.for %while3A_44 = %while3A_33 to %while3A_29 step %while3A_35  : i32 {
      %mul3A_45 = arith.constant 4 : i32
      %mul3A_46 = arith.muli %while3A_44, %mul3A_45 : i32
      %add3A_47 = arith.addi %select_n3A_8, %mul3A_46 : i32
      %add3A_48 = arith.constant 0 : i32
      %add3A_49 = arith.addi %add3A_47, %add3A_48 : i32
      %dma_start3A = arith.constant 0 : i32
      %dma_start3A_50 = tpu.memref_slice %arg3[%add3A_49, %dma_start3A] : memref<16384x2048xf32, #tpu.memory_space<hbm>> -> memref<1x2048xf32, #tpu.memory_space<hbm>>
      %dma_start3A_51 = arith.constant 0 : i32
      %dma_start3A_52 = tpu.memref_slice %arg3[%add3A_49, %dma_start3A_51] : memref<16384x2048xf32, #tpu.memory_space<hbm>> -> memref<1x2048xf32, #tpu.memory_space<hbm>>
      tpu.enqueue_dma source(%arg4 : memref<1x2048xf32, #tpu.memory_space<vmem>>) target(%dma_start3A_52 : memref<1x2048xf32, #tpu.memory_space<hbm>>) target_semaphore(%arg5 : memref<!tpu.dma_semaphore, #tpu.memory_space<semaphore_mem>>)
      %mul3A_53 = arith.constant 4 : i32
      %mul3A_54 = arith.muli %while3A_44, %mul3A_53 : i32
      %add3A_55 = arith.addi %select_n3A_8, %mul3A_54 : i32
      %add3A_56 = arith.constant 1 : i32
      %add3A_57 = arith.addi %add3A_55, %add3A_56 : i32
      %dma_start3A_58 = arith.constant 0 : i32
      %dma_start3A_59 = tpu.memref_slice %arg3[%add3A_57, %dma_start3A_58] : memref<16384x2048xf32, #tpu.memory_space<hbm>> -> memref<1x2048xf32, #tpu.memory_space<hbm>>
      %dma_start3A_60 = arith.constant 0 : i32
      %dma_start3A_61 = tpu.memref_slice %arg3[%add3A_57, %dma_start3A_60] : memref<16384x2048xf32, #tpu.memory_space<hbm>> -> memref<1x2048xf32, #tpu.memory_space<hbm>>
      tpu.enqueue_dma source(%arg4 : memref<1x2048xf32, #tpu.memory_space<vmem>>) target(%dma_start3A_61 : memref<1x2048xf32, #tpu.memory_space<hbm>>) target_semaphore(%arg5 : memref<!tpu.dma_semaphore, #tpu.memory_space<semaphore_mem>>)
      %mul3A_62 = arith.constant 4 : i32
      %mul3A_63 = arith.muli %while3A_44, %mul3A_62 : i32
      %add3A_64 = arith.addi %select_n3A_8, %mul3A_63 : i32
      %add3A_65 = arith.constant 2 : i32
      %add3A_66 = arith.addi %add3A_64, %add3A_65 : i32
      %dma_start3A_67 = arith.constant 0 : i32
      %dma_start3A_68 = tpu.memref_slice %arg3[%add3A_66, %dma_start3A_67] : memref<16384x2048xf32, #tpu.memory_space<hbm>> -> memref<1x2048xf32, #tpu.memory_space<hbm>>
      %dma_start3A_69 = arith.constant 0 : i32
      %dma_start3A_70 = tpu.memref_slice %arg3[%add3A_66, %dma_start3A_69] : memref<16384x2048xf32, #tpu.memory_space<hbm>> -> memref<1x2048xf32, #tpu.memory_space<hbm>>
      tpu.enqueue_dma source(%arg4 : memref<1x2048xf32, #tpu.memory_space<vmem>>) target(%dma_start3A_70 : memref<1x2048xf32, #tpu.memory_space<hbm>>) target_semaphore(%arg5 : memref<!tpu.dma_semaphore, #tpu.memory_space<semaphore_mem>>)
      %mul3A_71 = arith.constant 4 : i32
      %mul3A_72 = arith.muli %while3A_44, %mul3A_71 : i32
      %add3A_73 = arith.addi %select_n3A_8, %mul3A_72 : i32
      %add3A_74 = arith.constant 3 : i32
      %add3A_75 = arith.addi %add3A_73, %add3A_74 : i32
      %dma_start3A_76 = arith.constant 0 : i32
      %dma_start3A_77 = tpu.memref_slice %arg3[%add3A_75, %dma_start3A_76] : memref<16384x2048xf32, #tpu.memory_space<hbm>> -> memref<1x2048xf32, #tpu.memory_space<hbm>>
      %dma_start3A_78 = arith.constant 0 : i32
      %dma_start3A_79 = tpu.memref_slice %arg3[%add3A_75, %dma_start3A_78] : memref<16384x2048xf32, #tpu.memory_space<hbm>> -> memref<1x2048xf32, #tpu.memory_space<hbm>>
      tpu.enqueue_dma source(%arg4 : memref<1x2048xf32, #tpu.memory_space<vmem>>) target(%dma_start3A_79 : memref<1x2048xf32, #tpu.memory_space<hbm>>) target_semaphore(%arg5 : memref<!tpu.dma_semaphore, #tpu.memory_space<semaphore_mem>>)
    }
    %eq3A_36 = arith.constant 0 : i32
    %eq3A_37 = arith.cmpi eq, %arg0, %eq3A_36 : i32
    %convert_element_type3A = arith.extui %eq3A_37 : i1 to i32
    %cond3A = arith.constant 0 : i32
    %cond3A_38 = arith.cmpi ne, %convert_element_type3A, %cond3A : i32
    scf.if %cond3A_38 {
      %dma_wait3A = arith.constant 0 : i32
      %dma_wait3A_44 = tpu.memref_slice %arg3[%select_n3A_8, %dma_wait3A] : memref<16384x2048xf32, #tpu.memory_space<hbm>> -> memref<496x2048xf32, #tpu.memory_space<hbm>>
      %dma_wait3A_45 = arith.constant 0 : i32
      %dma_wait3A_46 = tpu.memref_slice %arg3[%select_n3A_8, %dma_wait3A_45] : memref<16384x2048xf32, #tpu.memory_space<hbm>> -> memref<496x2048xf32, #tpu.memory_space<hbm>>
      tpu.wait_dma2 semaphore(%arg5 : memref<!tpu.dma_semaphore, #tpu.memory_space<semaphore_mem>>) src(%dma_wait3A_46 : memref<496x2048xf32, #tpu.memory_space<hbm>>) dst(%dma_wait3A_44 : memref<496x2048xf32, #tpu.memory_space<hbm>>)
    } else {
    }
    %eq3A_39 = arith.constant 1 : i32
    %eq3A_40 = arith.cmpi eq, %arg0, %eq3A_39 : i32
    %convert_element_type3A_41 = arith.extui %eq3A_40 : i1 to i32
    %cond3A_42 = arith.constant 0 : i32
    %cond3A_43 = arith.cmpi ne, %convert_element_type3A_41, %cond3A_42 : i32
    scf.if %cond3A_43 {
      %dma_wait3A = arith.constant 0 : i32
      %dma_wait3A_44 = tpu.memref_slice %arg3[%select_n3A_8, %dma_wait3A] : memref<16384x2048xf32, #tpu.memory_space<hbm>> -> memref<528x2048xf32, #tpu.memory_space<hbm>>
      %dma_wait3A_45 = arith.constant 0 : i32
      %dma_wait3A_46 = tpu.memref_slice %arg3[%select_n3A_8, %dma_wait3A_45] : memref<16384x2048xf32, #tpu.memory_space<hbm>> -> memref<528x2048xf32, #tpu.memory_space<hbm>>
      tpu.wait_dma2 semaphore(%arg5 : memref<!tpu.dma_semaphore, #tpu.memory_space<semaphore_mem>>) src(%dma_wait3A_46 : memref<528x2048xf32, #tpu.memory_space<hbm>>) dst(%dma_wait3A_44 : memref<528x2048xf32, #tpu.memory_space<hbm>>)
    } else {
    }
    return
  }
}

</mosaic_0001>

<sc_bundles>
// kernel: kernel.3.cloned.1.call-start
scs
__scs_entry_jumppad:
0x0: {  	(pc) =	sbr.rel $0x88, $3  }
0x1: {  	(tag) =	ssettag $0x0;
	lr =	simm.s32 $0x1  }
0x2: {  	[smem:$0x3FA0] =	sst lr;
	_ =	strace $0xD0000000  }
0x3: {  	_ = 	snop  }
0x4: {  	_ = 	snop  }
0x5: {  	_ = 	snop  }
0x6: {  	_ = 	snop  }
0x7: {  	_ = 	snop  }
__scs_overlays_trampoline_lowered:
0x8: {  	[smem:$0x3FAF] =	sst s0  }
0x9: {  	[smem:$0x3FB0] =	sst s1  }
0xa: {  	[smem:$0x3FB1] =	sst s2  }
0xb: {  	[smem:$0x3FB2] =	sst s3  }
0xc: {  	[smem:$0x3FB3] =	sst s4  }
0xd: {  	[smem:$0x3FB4] =	sst s5  }
0xe: {  	[smem:$0x3FB5] =	sst s6  }
0xf: {  	[smem:$0x3FB6] =	sst s7  }
0x10: {  	[smem:$0x3FB7] =	sst s8  }
0x11: {  	[smem:$0x3FB8] =	sst s9;
	s0 =	simm.s32 @!p0 $0x0  }
0x12: {  	s1 =	sld [smem:$0x3F9E];
	s0 =	simm.s32 @p0 $0x1  }
0x13: {  	[smem:$0x3FB9] =	sst s0;
	s0 =	simm.s32 @!p1 $0x0  }
0x14: {  	s2 =	sld [smem:$0x3F9D];
	s0 =	simm.s32 @p1 $0x1  }
0x15: {  	[smem:$0x3FBA] =	sst s0;
	s0 =	simm.s32 @!p2 $0x0  }
0x16: {  	s3 =	sld [smem:$0x3FDB];
	s0 =	simm.s32 @p2 $0x1  }
0x17: {  	s4 =	simm.s32 $0x1BF5;
	[smem:$0x3FBC] =	sst s0  }
0x18: {  	s0 =	sld [smem:$0x3F9F];
	_ =	swait.ge [sflag:s4], $0x0  }
0x19: {  	s7 =	sld [smem:$0x3FA0]  }
0x1a: {  	s8 =	sadd.s32 $0xFFFFE003, lr  }
0x1b: {  	s9 =	sadd.s32 $0xFFFFFEF7, lr;
	s5 =	simm.s32 $0xFFFFFFFF;
	p2 =	slt.u32 s8, $0xFFFFF086  }
0x1c: {  	p1 =	slt.u32 s9, $0xF7A;
	s5 =	simm.s32 @!p2 $0x0  }
0x1d: {  	s5 =	simm.s32 @p1 $0x1;
	p0 =	seq.s32 s7, s2  }
0x1e: {  	s7 =	smul.u32 @!p0 $0xF7A, s2;
	p2 =	seq.s32 @!p0 s5, $0x0  }
0x1f: {  	s9 =	smul.u32 $0xF7A, s1;
	s8 =	simm.s32 @!p0 $0x1BF5;
	p2 =	por !p2, p0  }
0x20: {  	[sflag:s8] =	ssyncset.s32 @!p0 $0xFFFFF086;
	s6 =	sadd.s32 @!p0 s3, s7;
	s7 =	simm.s32 @!p0 $0x108  }
0x21: {  	s3 =	sadd.s32 s3, s9;
	s6 =	sadd.s32 @!p0 $0x88, s6;
	s7 =	simm.s32 @p2 $0x1082  }
0x22: {  	[simem:s7], [sflag:s8] =	dma.local @!p0 [hbm:s6], $0xF7A  }
0x23: {  	s9 =	sor.u32 $0xD0000000, s2;
	s6 =	simm.s32 $0x108;
	_ =	swait.ge @!p0 [sflag:s8], $0x0  }
0x24: {  	s3 =	sadd.s32 $0x88, s3;
	s6 =	simm.s32 @!p1 $0x1082;
	[sflag:s4] =	ssyncset.s32 $0xFFFFF086  }
0x25: {  	[simem:s6], [sflag:s4] =	dma.local [hbm:s3], $0xF7A  }
0x26: {  	[smem:$0x3FA0] =	sst s1;
	(tag) =	ssettag s2;
	_ =	strace s9  }
0x27: {  	s1 =	sld [smem:$0x3FB0]  }
0x28: {  	s2 =	sld [smem:$0x3FB1]  }
0x29: {  	s4 =	sld [smem:$0x3FB3]  }
0x2a: {  	p0 =	seq.s32 s5, $0x0;
	s5 =	sld [smem:$0x3FB4]  }
0x2b: {  	s6 =	sld [smem:$0x3FB5]  }
0x2c: {  	s7 =	sld [smem:$0x3FB6]  }
0x2d: {  	s3 =	simm.s32 $0x108;
	s8 =	sld [smem:$0x3FB7]  }
0x2e: {  	s3 =	simm.s32 @!p0 $0x1082;
	s9 =	sld [smem:$0x3FB8]  }
0x2f: {  	lr =	sadd.s32 s0, s3;
	s0 =	sld [smem:$0x3FAF]  }
0x30: {  	s3 =	sld [smem:$0x3FB2]  }
0x31: {  	[smem:$0x3FBB] =	sst s10  }
0x32: {  	s10 =	sld [smem:$0x3FB9];
	_ =	sdelay $0x3  }
0x33: {  	p0 =	seq.s32 s10, $0x1;
	s10 =	sld [smem:$0x3FBB];
	_ =	sdelay $0x3  }
0x34: {  	[smem:$0x3FBB] =	sst s10  }
0x35: {  	s10 =	sld [smem:$0x3FBA];
	_ =	sdelay $0x3  }
0x36: {  	p1 =	seq.s32 s10, $0x1;
	s10 =	sld [smem:$0x3FBB];
	_ =	sdelay $0x3  }
0x37: {  	[smem:$0x3FBB] =	sst s10  }
0x38: {  	s10 =	sld [smem:$0x3FBC]  }
0x39: {  	_ = 	snop;
	(pc) =	sbr.ind lr, $3  }
0x3a: {  	_ = 	snop  }
0x3b: {  	_ = 	snop  }
0x3c: {  	p2 =	seq.s32 s10, $0x1;
	s10 =	sld [smem:$0x3FBB]  }
0x3d: {  	_ =	shalt  }
0x3e: {  	_ =	shalt  }
0x3f: {  	_ =	shalt  }
0x40: {  	_ =	shalt  }
0x41: {  	_ =	shalt  }
0x42: {  	_ =	shalt  }
0x43: {  	_ =	shalt  }
0x44: {  	_ =	shalt  }
0x45: {  	_ =	shalt  }
0x46: {  	_ =	shalt  }
0x47: {  	_ =	shalt  }
0x48: {  	_ =	shalt  }
0x49: {  	_ =	shalt  }
0x4a: {  	_ =	shalt  }
0x4b: {  	_ =	shalt  }
0x4c: {  	_ =	shalt  }
0x4d: {  	_ =	shalt  }
0x4e: {  	_ =	shalt  }
0x4f: {  	_ =	shalt  }
0x50: {  	_ =	shalt  }
0x51: {  	_ =	shalt  }
0x52: {  	_ =	shalt  }
0x53: {  	_ =	shalt  }
0x54: {  	_ =	shalt  }
0x55: {  	_ =	shalt  }
0x56: {  	_ =	shalt  }
0x57: {  	_ =	shalt  }
0x58: {  	_ =	shalt  }
0x59: {  	_ =	shalt  }
0x5a: {  	_ =	shalt  }
0x5b: {  	_ =	shalt  }
0x5c: {  	_ =	shalt  }
0x5d: {  	_ =	shalt  }
0x5e: {  	_ =	shalt  }
0x5f: {  	_ =	shalt  }
0x60: {  	_ =	shalt  }
0x61: {  	_ =	shalt  }
0x62: {  	_ =	shalt  }
0x63: {  	_ =	shalt  }
0x64: {  	_ =	shalt  }
0x65: {  	_ =	shalt  }
0x66: {  	_ =	shalt  }
0x67: {  	_ =	shalt  }
0x68: {  	_ =	shalt  }
0x69: {  	_ =	shalt  }
0x6a: {  	_ =	shalt  }
0x6b: {  	_ =	shalt  }
0x6c: {  	_ =	shalt  }
0x6d: {  	_ =	shalt  }
0x6e: {  	_ =	shalt  }
0x6f: {  	_ =	shalt  }
0x70: {  	_ =	shalt  }
0x71: {  	_ =	shalt  }
0x72: {  	_ =	shalt  }
0x73: {  	_ =	shalt  }
0x74: {  	_ =	shalt  }
0x75: {  	_ =	shalt  }
0x76: {  	_ =	shalt  }
0x77: {  	_ =	shalt  }
0x78: {  	_ =	shalt  }
0x79: {  	_ =	shalt  }
0x7a: {  	_ =	shalt  }
0x7b: {  	_ =	shalt  }
0x7c: {  	_ =	shalt  }
0x7d: {  	_ =	shalt  }
0x7e: {  	_ =	shalt  }
0x7f: {  	_ =	shalt  }
0x80: {  	_ =	shalt  }
0x81: {  	_ =	shalt  }
0x82: {  	_ =	shalt  }
0x83: {  	_ =	shalt  }
0x84: {  	_ =	shalt  }
0x85: {  	_ =	shalt  }
0x86: {  	_ =	shalt  }
0x87: {  	_ =	shalt  }
.Lfunc_end0:
.L_simem_size_0:
called_computation_lowered:
.L_overlay_start_0:
0x88: {  	s2 =	sld [smem:$0x3FD9]  }
0x89: {  	s3 =	sld [smem:$0x3FFE];
	_ =	sdelay $0x1  }
0x8a: {  	s1 =	srdreg.scid  }
0x8b: {  	s0 =	sand.u32 $0x1, s1  }
0x8c: {  	s18 =	sshll.u32 s0, $0xA;
	s2 =	sadd.s32 s3, s2  }
0x8d: {  	s2 =	sadd.s32 s2, s18  }
0x8e: {  	[smem:$0x3FC7] =	sst s2  }
0x8f: {  	_ = 	snop  }
0x90: {  	s2 =	sld [smem:$0x3FC9]  }
0x91: {  	s19 =	sld [smem:$0x3FD0];
	(tm) =	ssettm $0x1  }
0x92: {  	s4 =	sld [smem:$0x3FFB];
	_ =	sdelay $0x3  }
0x93: {  	_ =	strace s4  }
0x94: {  	s4 =	sld [smem:$0x3FFC];
	_ =	sdelay $0x3  }
0x95: {  	_ =	strace s4  }
0x96: {  	s4 =	sld [smem:$0x3FFD];
	_ =	sdelay $0x3  }
0x97: {  	_ =	strace s4  }
0x98: {  	_ =	strace $0x8FFFFFFF  }
0x99: {  	s20 =	sld [smem:$0x3FDB];
	_ =	sdelay $0x1  }
0x9a: {  	s5 =	simm.s32 $_scs_section_size  }
0x9b: {  	s6 =	simm.s32 $_size__tile_overlayer_lowered;
	s7 =	simm.s32 $_tile_overlayer_lowered  }
0x9c: {  	s23 =	simm.s32 $0x1BFF;
	s22 =	sshll.u32 s7, $0x1;
	s4 =	sadd.s32 s5, s20  }
0x9d: {  	s8 =	simm.s32 $0x0;
	s21 =	sshll.u32 s6, $0x1;
	s6 =	sadd.s32 s22, s4  }
0x9e: {  	[timem:s8], [sflag:s23] =	dma.local [hbm:s6], s21  }
0x9f: {  	_ =	swait.ge [sflag:s23], s21  }
0xa0: {  	s5 =	ssub.s32 $0x0, s21;
	[sflag:s23] =	ssyncset.done $0x0  }
0xa1: {  	[sflag:s23] =	ssyncadd.s32 s5;
	_ =	sdelay $0x1  }
0xa2: {  	s24 =	simm.s32 $0x1B8B  }
0xa3: {  	_ =	swait.ge [sflag:s24], $0x1  }
0xa4: {  	[sflag:s24] =	ssyncset.done $0x0  }
0xa5: {  	s25 =	simm.s32 $0x1B8E;
	[sflag:s24] =	ssyncadd.s32 $0xFFFFFFFF  }
0xa6: {  	s26 =	simm.s32 $execute0_lowered;
	[smem:$0x3FD2] =	sst s25  }
0xa7: {  	s5 =	sshll.u32 s26, $0x1;
	_ =	strace $0x80000046;
	[dreg:$0x1] =	wrdreg $0xFFFFFFFF  }
0xa8: {  	s28 =	simm.s32 $_size_execute0_lowered;
	s4 =	sadd.s32 s4, s5;
	[dreg:$0x0] =	wrdreg $0x0  }
0xa9: {  	s5 =	sshll.u32 s28, $0x1;
	[dreg:$0x2] =	wrdreg s4  }
0xaa: {  	[dreg:$0x3] =	wrdreg s5  }
0xab: {  	[dreg:$0x4] =	wrdreg $0xC0  }
0xac: {  	_ =	task [dreg:s8], $0x5FFFF  }
0xad: {  	[dreg:$0x1] =	wrdreg $0xFFFFFFFF  }
0xae: {  	[dreg:$0x0] =	wrdreg $0x60  }
0xaf: {  	[dreg:$0x2] =	wrdreg s2  }
0xb0: {  	[dreg:$0x3] =	wrdreg s19  }
0xb1: {  	[dreg:$0x4] =	wrdreg $0x9  }
0xb2: {  	_ =	task.clear_ibuf [dreg:s8], $0x5FFFF;
	_ =	strace $0x90000046  }
0xb3: {  	s29 =	simm.s32 $0x9;
	_ =	strace $0x80000048  }
0xb4: {  	_ =	swait.ge [sflag:s29], $0x1  }
0xb5: {  	[sflag:s29] =	ssyncadd.s32 $0xFFFFFFFF  }
0xb6: {  	_ =	strace $0x90000048  }
0xb7: {  	_ =	sfence  }
0xb8: {  	s30 =	sld [smem:$0x0];
	_ =	sdelay $0x2  }
0xb9: {  	s31 =	sshll.u32 s1, $0xD;
	s1 =	sshrl.u32 s1, $0x2  }
0xba: {  	s3 =	sand.u32 $0x4000, s31;
	s1 =	sadd.s32 s1, s30  }
0xbb: {  	s0 =	sor.u32 s3, s0;
	s1 =	sshll.u32 s1, $0x11  }
0xbc: {  	s0 =	sor.u32 s1, s0  }
0xbd: {  	s0 =	sadd.s32 $0x8F2B, s0  }
0xbe: {  	[sflag:s0] =	ssyncadd.remote.s32 $0x1  }
0xbf: {  	_ =	sfence.sel $0xFFFF  }
0xc0: {  	[dreg:$0x0] =	wrdreg $0xFFFFFFFF;
	(pc) =	sbr.abs _section_cstart, $3  }
0xc1: {  	[dreg:$0x1] =	wrdreg $0xFFFFFFFF  }
0xc2: {  	_ =	task.clear_ibuf [dreg:s8], $0x2FFFF;
	_ =	strace $0x9FFFFFFF  }
0xc3: {  	(tm) =	ssettm $0x7FFFFFFF  }
tec
execute0_lowered:
.L_overlay_start_1:
0x0: {  	(tag) =	ssettag $0x1  }
0x1: {  	s1 =	rddreg [dreg:$0x0]  }
0x2: {  	s3 =	rddreg [dreg:$0x1]  }
0x3: {  	s0 =	rddreg [dreg:$0x2];
	s4 =	simm.s32 $0x0;
	s2 =	stileid.u32  }
0x4: {  	s5 =	srdreg.scid;
	s9 =	simm.s32 $0x80;
	s10 =	simm.s32 $0x400  }
0x5: {  	[smem:$0x7FF] =	sst s4;
	s6 =	smul.u32 $0x210, s2;
	s11 =	sand.u32 $0x1, s5  }
0x6: {  	s5 =	smul.u32 $0x1F0, s2;
	_ =	strace $0x80000047;
	s7 =	ssub.s32 $0x2, s11  }
0x7: {  	p0 =	seq.s32 s11, $0x0;
	s6 =	sadd.s32 $0x1F00, s6;
	s8 =	sshrl.u32 s7, $0x1  }
0x8: {  	s6 =	smov.u32 @p0 s5;
	s5 =	simm.s32 $0xF800;
	s7 =	ssub.s32 s7, s8  }
0x9: {  	s8 =	simm.s32 $0x2;
	s5 =	simm.s32 @!p0 $0x10800;
	s6 =	sshll.u32 s6, $0xB  }
0xa: {  	s7 =	smax.u32 s7, $0x1;
	p0 =	sne.s32 s11, $0x0;
	s11 =	simm.s32 $0x0  }
.LBB2_1:
0xb: {  	[tilespmem:s4], [sflag:$0x2] =	stream.linear.gather [hbm4b:s1+s4], $0x800, $0x38;
	[tilespmem:$0x800] =	vst v63  }
0xc: {  	s12 =	sand.u32 $0xFFFFC000, s6;
	s13 =	sand.u32 $0x200, s4  }
0xd: {  	p1 =	sne.s32 s5, $0x200;
	_ =	swait.ge [sflag:s8], $0x800;
	s12 =	sor.u32 s13, s12  }
.Ltmp0:
0xe: {  	[sflag:s8] =	ssyncset.done $0x0;
	s12 =	sshrl.u32 s12, $0x3;
	(pc) =	sbr.rel @!p1 .LBB2_3-.Ltmp0, $4  }
0xf: {  	[sflag:s8] =	ssyncadd.s32 $0xFFFFF800;
	s12 =	sadd.s32 s3, s12  }
0x10: {  	[hbm4b:s12+s9] =	stream.strided.scatter [tilespmem:s4], [sflag:$0x1], $0x800, s10, s9, $0x38;
	[tilespmem:$0x800] =	vst v63  }
0x11: {  	s14 =	sadd.s32 $0x2000, s6;
	s13 =	simm.s32 $0x200;
	s31 =	sadd.s32 $0x10, s12  }
0x12: {  	[hbm4b:s31+s9] =	stream.strided.scatter [tilespmem:s4], [sflag:$0x1], $0x800, s10, s9, $0x38;
	[tilespmem:$0x800] =	vst v63  }
.LBB2_2:
0x13: {  	s15 =	sand.u32 $0xFFFFC000, s14  }
0x14: {  	s16 =	sand.u32 $0x200, s13;
	s17 =	sadd.s32 $0x20, s12;
	s13 =	sadd.s32 $0x200, s13  }
0x15: {  	[hbm4b:s17+s9] =	stream.strided.scatter [tilespmem:s4], [sflag:$0x1], $0x800, s10, s9, $0x38;
	[tilespmem:$0x800] =	vst v63  }
0x16: {  	s12 =	sadd.s32 $0x30, s12;
	s15 =	sor.u32 s16, s15;
	p1 =	sne.s32 s5, s13  }
0x17: {  	[hbm4b:s12+s9] =	stream.strided.scatter [tilespmem:s4], [sflag:$0x1], $0x800, s10, s9, $0x38;
	[tilespmem:$0x800] =	vst v63  }
.Ltmp1:
0x18: {  	s12 =	sshrl.u32 s15, $0x3;
	(pc) =	sbr.rel @p1 .LBB2_2-.Ltmp1, $4  }
0x19: {  	s12 =	sadd.s32 s3, s12  }
0x1a: {  	[hbm4b:s12+s9] =	stream.strided.scatter [tilespmem:s4], [sflag:$0x1], $0x800, s10, s9, $0x38;
	[tilespmem:$0x800] =	vst v63  }
0x1b: {  	s14 =	sadd.s32 $0x2000, s14;
	s15 =	sadd.s32 $0x10, s12  }
0x1c: {  	[hbm4b:s15+s9] =	stream.strided.scatter [tilespmem:s4], [sflag:$0x1], $0x800, s10, s9, $0x38;
	[tilespmem:$0x800] =	vst v63  }
.LBB2_3:
0x1d: {  	s13 =	sadd.s32 $0x20, s12  }
0x1e: {  	[hbm4b:s13+s9] =	stream.strided.scatter [tilespmem:s4], [sflag:$0x1], $0x800, s10, s9, $0x38;
	[tilespmem:$0x800] =	vst v63  }
0x1f: {  	s31 =	sadd.s32 $0x30, s12;
	s12 =	simm.s32 @p0 $0x1;
	s11 =	sadd.s32 $0x1, s11  }
0x20: {  	[hbm4b:s31+s9] =	stream.strided.scatter [tilespmem:s4], [sflag:$0x1], $0x800, s10, s9, $0x38;
	[tilespmem:$0x800] =	vst v63  }
0x21: {  	p1 =	sne.s32 s11, s7;
	_ =	swait.ge @p0 [sflag:s12], $0x21000  }
.Ltmp2:
0x22: {  	[sflag:s12] =	ssyncset.done @p0 $0x0;
	(pc) =	sbr.rel @p1 .LBB2_1-.Ltmp2, $4  }
0x23: {  	[sflag:s12] =	ssyncadd.s32 @p0 $0xFFFDF000;
	s12 =	simm.s32 @!p0 $0x1  }
0x24: {  	_ =	swait.ge @!p0 [sflag:s12], $0x1F000  }
0x25: {  	[sflag:s12] =	ssyncset.done @!p0 $0x0  }
0x26: {  	[sflag:s12] =	ssyncadd.s32 @!p0 $0xFFFE1000  }
0x27: {  	_ =	sfence.sel $0x180000  }
0x28: {  	[bflag:$0x0] =	sbarrier.arrive $0xFFFF  }
0x29: {  	p0 =	sne.s32 s2, $0x0;
	_ =	strace $0x90000047  }
0x2a: {  	s0 =	sadd.s32 @!p0 $0x100000, s0;
	[bflag:$0x2] =	sbarrier.arrive $0xFFFF  }
0x2b: {  	[sflag:s0] =	ssyncadd.tile.s32 @!p0 $0x1;
	_ =	shalt  }
.Lfunc_end2:
_tile_overlayer_lowered:
.L_overlay_start_2:
0x2c: {  	(tag) =	ssettag $0x2  }
0x2d: {  	s0 =	rddreg [dreg:$0x0];
	s2 =	stileid.u32  }
0x2e: {  	s1 =	rddreg [dreg:$0x1];
	p0 =	sne.s32 s2, $0x0  }
0x2f: {  	s3 =	rddreg [dreg:$0x2];
	[bflag:$0x3] =	sbarrier.arrive $0xFFFF;
	s2 =	simm.s32 @!p0 $0x1C02  }
0x30: {  	[timem:s3], [sflag:s2] =	dma.local @!p0 [hbm:s0], s1  }
0x31: {  	s0 =	simm.s32 @!p0 $0x2  }
0x32: {  	_ =	swait.ge @!p0 [sflag:s0], s1  }
0x33: {  	s1 =	ssub.s32 @!p0 $0x0, s1;
	[sflag:s0] =	ssyncset.done @!p0 $0x0  }
0x34: {  	[sflag:s0] =	ssyncadd.s32 @!p0 s1  }
0x35: {  	[bflag:$0x3] =	sbarrier.arrive $0xFFFF  }
0x36: {  	_ =	shalt  }

</sc_bundles>
